<compile_context>
chip_gen: v7x
topology: tpu7x:2x2x1
jax: 0.10.2.dev20260603
libtpu: 0.0.44.dev20260713+nightly
codegen_flags: <defaults>
</compile_context>

<pallas_src>
import functools

import jax
import jax.numpy as jnp
from jax import lax
from jax.experimental import pallas as pl
from jax.experimental.pallas import tpu as pltpu
from jax.experimental.pallas import tpu_sc as plsc

B, L, V, D, EDIT = 4096, 200, 1000000, 64, 128
NORM_MAX = 14.0
NORM_EPS = 0.1

_INFO = plsc.get_sparse_core_info()
NC, NS = _INFO.num_cores, _INFO.num_subcores
NW = NC * NS
NTASK = 2 * B
TPW = NTASK // NW
HALF = L // 2


def _sc_pool_kernel(idx_hbm, table_hbm, out_hbm, idx_v, buf_v, outst_v, sems):
    wid = lax.axis_index("s") * NC + lax.axis_index("c")
    t0 = wid * TPW

    pltpu.sync_copy(idx_hbm.at[pl.ds(t0 * 2, TPW * 2)], idx_v)

    def copies(t, slot):
        return (
            pltpu.make_async_copy(
                table_hbm.at[idx_v.at[2 * t]],
                buf_v.at[slot, pl.ds(0, HALF)],
                sems.at[slot],
            ),
            pltpu.make_async_copy(
                table_hbm.at[idx_v.at[2 * t + 1]],
                buf_v.at[slot, pl.ds(HALF, HALF)],
                sems.at[slot],
            ),
        )

    def fire(t, slot):
        for c in copies(t, slot):
            c.start()

    fire(0, 0)

    @pl.loop(0, TPW, step=2)
    def _task_pair(t):
        for b in range(2):
            tt = t + b
            slot = b

            @pl.when(tt + 1 < TPW)
            def _():
                fire(tt + 1, 1 - slot)

            for c in copies(tt, slot):
                c.wait()

            def red(r, accs):
                return tuple(
                    accs[k] + buf_v[slot, r, pl.ds(16 * k, 16)] for k in range(4)
                )

            zero = jnp.zeros((16,), jnp.float32)
            accs = lax.fori_loop(0, L, red, (zero, zero, zero, zero))
            for k in range(4):
                outst_v[pl.ds(tt * D + 16 * k, 16)] = accs[k]

    pltpu.sync_copy(outst_v, out_hbm.at[pl.ds(t0 * D, TPW * D)])


def _sc_pool(idx_all, table):
    mesh = plsc.VectorSubcoreMesh(core_axis_name="c", subcore_axis_name="s")
    kern = functools.partial(
        pl.kernel,
        out_type=jax.ShapeDtypeStruct((NTASK * D,), jnp.float32),
        mesh=mesh,
        compiler_params=pltpu.CompilerParams(use_tc_tiling_on_sc=False),
        scratch_types=[
            pltpu.VMEM((2 * TPW, HALF), jnp.int32),
            pltpu.VMEM((2, L, D), jnp.float32),
            pltpu.VMEM((TPW * D,), jnp.float32),
            pltpu.SemaphoreType.DMA((2,)),
        ],
    )(_sc_pool_kernel)
    return kern(idx_all, table)


def _tc_post_kernel(sums_ref, w_ref, ws_ref, vn_ref, tr_ref, out_ref):
    ins = sums_ref[0:B, :]
    dele = sums_ref[B:2 * B, :]
    wmat = w_ref[...]
    dn = (((1,), (1,)), ((), ()))
    ins_set = lax.dot_general(ins, wmat, dn, preferred_element_type=jnp.float32)
    del_set = lax.dot_general(dele, wmat, dn, preferred_element_type=jnp.float32)
    mu = jnp.concatenate([ins_set, del_set], axis=1)
    v_noise = vn_ref[...]
    munorm = jnp.sqrt(jnp.sum(mu * mu, axis=1, keepdims=True))
    munoise = jnp.clip(munorm, 0.0, NORM_MAX - NORM_EPS) + tr_ref[...]
    w = ws_ref[...]
    muhat = mu / munorm
    rescale = jnp.sum(muhat * v_noise, axis=1, keepdims=True) / jnp.sqrt(
        jnp.sum(muhat * muhat, axis=1, keepdims=True))
    ortho = v_noise - muhat * rescale
    v = ortho / jnp.sqrt(jnp.sum(ortho * ortho, axis=1, keepdims=True))
    scale_factr = jnp.sqrt(1.0 - jnp.square(w))
    out_ref[...] = (v * scale_factr + mu * w / munorm) * munoise


def _tc_post(sums, W, w_samples, v_noise, trand):
    return pl.pallas_call(
        _tc_post_kernel,
        out_shape=jax.ShapeDtypeStruct((B, EDIT), jnp.float32),
    )(sums, W, w_samples.reshape(B, 1), v_noise, trand)


def kernel(insert, delete, table, W, w_samples, v_noise, trand):
    idx_all = jnp.concatenate(
        [insert.astype(jnp.int32), delete.astype(jnp.int32)], axis=0
    ).reshape(NTASK * 2, HALF)
    sums = _sc_pool(idx_all, table).reshape(NTASK, D)
    return _tc_post(sums, W, w_samples, v_noise, trand)

# --- scband reference (transcript-rebuilt; emitter-appended) ---
"""Pipeline reference for scband-edit-encoder-84705345011905 (READ-ONLY COPY).

The authoritative reference and input builder live on the scoring server;
editing this copy changes nothing except your own understanding.
"""

import jax, jax.numpy as jnp
import numpy as np

B, L, V, D, EDIT = 4096, 200, 1000000, 64, 128
NORM_MAX = 14.0
KAPPA = 100.0
NORM_EPS = 0.1


def _sample_weight_np(kappa, dim, rng):
    # rejection sampling for vMF weight; depends only on kappa/dim, not on mu
    dim = dim - 1
    b = dim / (np.sqrt(4.0 * kappa ** 2 + dim ** 2) + 2 * kappa)
    x = (1.0 - b) / (1.0 + b)
    c = kappa * x + dim * np.log(1 - x ** 2)
    while True:
        z = rng.beta(dim / 2.0, dim / 2.0)
        w = (1.0 - (1.0 + b) * z) / (1.0 - (1.0 - b) * z)
        u = rng.uniform(0.0, 1.0)
        if kappa * w + dim * np.log(1.0 - x * w) - c >= np.log(u):
            return w


def setup_inputs(seed: int = 0) -> dict:
    key = jax.random.key(seed)
    k1, k2, k3, k4, k5, k6 = jax.random.split(key, 6)
    insert = jax.random.randint(k1, (B, L), 0, V, dtype=jnp.int64) if jax.config.jax_enable_x64 else jax.random.randint(k1, (B, L), 0, V, dtype=jnp.int32)
    delete = jax.random.randint(k2, (B, L), 0, V, dtype=insert.dtype)
    table = jax.random.normal(k3, (V, D), dtype=jnp.float32) * 0.02
    W = jax.random.normal(k4, (EDIT // 2, D), dtype=jnp.float32) * (1.0 / np.sqrt(D))
    rng = np.random.default_rng(0)
    w_samples = np.asarray([_sample_weight_np(KAPPA, EDIT, rng) for _ in range(B)], dtype=np.float32)
    v_noise = jax.random.normal(k5, (B, EDIT), dtype=jnp.float32)
    trand = jax.random.uniform(k6, (B, 1), dtype=jnp.float32) * NORM_EPS
    return {"insert": insert, "delete": delete, "table": table, "W": W,
            "w_samples": jnp.asarray(w_samples), "v_noise": v_noise, "trand": trand}


def reference(insert, delete, table, W, w_samples, v_noise, trand):
    # embedding lookup + sum over sequence dim (insert_embed.sum_(dim=-2))
    ins = jnp.take(table, insert, axis=0).sum(axis=-2)   # [B, D]
    dele = jnp.take(table, delete, axis=0).sum(axis=-2)  # [B, D]
    ins_set = ins @ W.T                                   # [B, EDIT//2]
    del_set = dele @ W.T                                  # [B, EDIT//2]
    mu = jnp.concatenate([ins_set, del_set], axis=1)      # [B, EDIT]
    # sample_vMF (vectorized over batch; norms of random mu are > 1e-10)
    munorm = jnp.linalg.norm(mu, axis=1, keepdims=True)   # [B, 1]
    # add_norm_noise: Hardtanh(0, norm_max - eps) then add uniform[0, eps) scalar
    munoise = jnp.clip(munorm, 0.0, NORM_MAX - NORM_EPS) + trand
    w = w_samples[:, None]                                # [B, 1]
    muhat = mu / munorm                                   # unit mu
    # _sample_orthonormal_to(muhat)
    rescale = jnp.sum(muhat * v_noise, axis=1, keepdims=True) / jnp.linalg.norm(muhat, axis=1, keepdims=True)
    ortho = v_noise - muhat * rescale
    v = ortho / jnp.linalg.norm(ortho, axis=1, keepdims=True)
    scale_factr = jnp.sqrt(1.0 - jnp.square(w))
    orth_term = v * scale_factr
    muscale = mu * w / munorm
    sampled_vec = (orth_term + muscale) * munoise         # [B, EDIT]
    return sampled_vec

if __name__ == "__main__":
    import jax
    _d = setup_inputs()
    print(jax.jit(kernel)(*tuple(_d.values())))

</pallas_src>

<mosaic_0001>
#map = affine_map<(d0, d1) -> (0, 0)>
#map1 = affine_map<(d0, d1) -> (0)>
module attributes {stable_mosaic.version = 14 : i64} {
  func.func @_sc_pool_kernel(%arg0: i32, %arg1: i32, %arg2: memref<16384x100xi32, #tpu.memory_space<hbm>>, %arg3: memref<1000000x64xf32, #tpu.memory_space<hbm>>, %arg4: memref<524288xf32, #tpu.memory_space<hbm>>, %arg5: memref<512x100xi32, #tpu.memory_space<vmem>>, %arg6: memref<2x200x64xf32, #tpu.memory_space<vmem>>, %arg7: memref<16384xf32, #tpu.memory_space<vmem>>, %arg8: memref<2x!tpu.dma_semaphore, #tpu.memory_space<semaphore_mem>>) attributes {dimension_semantics = [#tpu.dimension_semantics<core_parallel>, #tpu.dimension_semantics<subcore_parallel>], iteration_bounds = array<i64: 2, 16>, scalar_prefetch = 0 : i64, scratch_operands = 4 : i64, tpu.core_type = #tpu.core_type<sc_vector_subcore>, window_params = [{transform_indices = #map}, {transform_indices = #map}, {transform_indices = #map1}]} {
    %mul3A = arith.constant 2 : i32
    %mul3A_0 = arith.muli %arg1, %mul3A : i32
    %add3A = arith.addi %mul3A_0, %arg0 : i32
    %mul3A_1 = arith.constant 256 : i32
    %mul3A_2 = arith.muli %add3A, %mul3A_1 : i32
    %mul3A_3 = arith.constant 2 : i32
    %mul3A_4 = arith.muli %mul3A_2, %mul3A_3 : i32
    "tpu.region"() ({
      %run_scoped3A = tpu.sem_alloc : memref<!tpu.dma_semaphore, #tpu.memory_space<semaphore_mem>>
      %dma_start3A_40 = arith.constant 0 : i32
      %dma_start3A_41 = tpu.memref_slice %arg2[%mul3A_4, %dma_start3A_40] : memref<16384x100xi32, #tpu.memory_space<hbm>> -> memref<512x100xi32, #tpu.memory_space<hbm>>
      %dma_start3A_42 = arith.constant 0 : i32
      %dma_start3A_43 = tpu.memref_slice %arg2[%mul3A_4, %dma_start3A_42] : memref<16384x100xi32, #tpu.memory_space<hbm>> -> memref<512x100xi32, #tpu.memory_space<hbm>>
      tpu.enqueue_dma source(%dma_start3A_43 : memref<512x100xi32, #tpu.memory_space<hbm>>) target(%arg5 : memref<512x100xi32, #tpu.memory_space<vmem>>) target_semaphore(%run_scoped3A : memref<!tpu.dma_semaphore, #tpu.memory_space<semaphore_mem>>)
      %dma_wait3A = arith.constant 0 : i32
      %dma_wait3A_44 = tpu.memref_slice %arg2[%mul3A_4, %dma_wait3A] : memref<16384x100xi32, #tpu.memory_space<hbm>> -> memref<512x100xi32, #tpu.memory_space<hbm>>
      %dma_wait3A_45 = arith.constant 0 : i32
      %dma_wait3A_46 = tpu.memref_slice %arg2[%mul3A_4, %dma_wait3A_45] : memref<16384x100xi32, #tpu.memory_space<hbm>> -> memref<512x100xi32, #tpu.memory_space<hbm>>
      tpu.wait_dma2 semaphore(%run_scoped3A : memref<!tpu.dma_semaphore, #tpu.memory_space<semaphore_mem>>) src(%dma_wait3A_46 : memref<512x100xi32, #tpu.memory_space<hbm>>) dst(%arg5 : memref<512x100xi32, #tpu.memory_space<vmem>>)
      tpu.yield
    }) : () -> ()
    %dma_start3A = arith.constant 0 : i32
    %dma_start3A_5 = arith.constant 0 : i32
    %dma_start3A_6 = arith.constant 0 : i32
    %dma_start3A_7 = arith.constant 0 : i32
    %dma_start3A_8 = arith.constant 0 : i32
    %dma_start3A_9 = tpu.memref_slice %arg6[%dma_start3A_5, %dma_start3A_7, %dma_start3A_8] : memref<2x200x64xf32, #tpu.memory_space<vmem>> -> memref<1x100x64xf32, #tpu.memory_space<vmem>>
    %dma_start3A_10 = tpu.memref_squeeze %dma_start3A_9 : memref<1x100x64xf32, #tpu.memory_space<vmem>> -> memref<100x64xf32, #tpu.memory_space<vmem>>
    %dma_start3A_11 = arith.constant 0 : i32
    %dma_start3A_12 = tpu.memref_slice %arg5[%dma_start3A, %dma_start3A_11] : memref<512x100xi32, #tpu.memory_space<vmem>> -> memref<1x100xi32, #tpu.memory_space<vmem>>
    %dma_start3A_13 = tpu.memref_squeeze %dma_start3A_12 : memref<1x100xi32, #tpu.memory_space<vmem>> -> memref<100xi32, #tpu.memory_space<vmem>>
    %dma_start3A_14 = arith.constant 0 : i32
    %dma_start3A_15 = arith.constant 0 : i32
    %dma_start3A_16 = tpu.memref_slice %arg3[%dma_start3A_14, %dma_start3A_15] : memref<1000000x64xf32, #tpu.memory_space<hbm>> -> memref<1000000x64xf32, #tpu.memory_space<hbm>>
    %dma_start3A_17 = tpu.memref_slice %arg8[%dma_start3A_6] : memref<2x!tpu.dma_semaphore, #tpu.memory_space<semaphore_mem>> -> memref<1x!tpu.dma_semaphore, #tpu.memory_space<semaphore_mem>>
    %dma_start3A_18 = tpu.memref_squeeze %dma_start3A_17 : memref<1x!tpu.dma_semaphore, #tpu.memory_space<semaphore_mem>> -> memref<!tpu.dma_semaphore, #tpu.memory_space<semaphore_mem>>
    tpu.enqueue_indirect_dma source(%dma_start3A_16 : memref<1000000x64xf32, #tpu.memory_space<hbm>>) target(%dma_start3A_10 : memref<100x64xf32, #tpu.memory_space<vmem>>) offsets(%dma_start3A_13 : memref<100xi32, #tpu.memory_space<vmem>>) semaphore(%dma_start3A_18 : memref<!tpu.dma_semaphore, #tpu.memory_space<semaphore_mem>>)
    %dma_start3A_19 = arith.constant 1 : i32
    %dma_start3A_20 = arith.constant 0 : i32
    %dma_start3A_21 = arith.constant 0 : i32
    %dma_start3A_22 = arith.constant 100 : i32
    %dma_start3A_23 = arith.constant 0 : i32
    %dma_start3A_24 = tpu.memref_slice %arg6[%dma_start3A_20, %dma_start3A_22, %dma_start3A_23] : memref<2x200x64xf32, #tpu.memory_space<vmem>> -> memref<1x100x64xf32, #tpu.memory_space<vmem>>
    %dma_start3A_25 = tpu.memref_squeeze %dma_start3A_24 : memref<1x100x64xf32, #tpu.memory_space<vmem>> -> memref<100x64xf32, #tpu.memory_space<vmem>>
    %dma_start3A_26 = arith.constant 0 : i32
    %dma_start3A_27 = tpu.memref_slice %arg5[%dma_start3A_19, %dma_start3A_26] : memref<512x100xi32, #tpu.memory_space<vmem>> -> memref<1x100xi32, #tpu.memory_space<vmem>>
    %dma_start3A_28 = tpu.memref_squeeze %dma_start3A_27 : memref<1x100xi32, #tpu.memory_space<vmem>> -> memref<100xi32, #tpu.memory_space<vmem>>
    %dma_start3A_29 = arith.constant 0 : i32
    %dma_start3A_30 = arith.constant 0 : i32
    %dma_start3A_31 = tpu.memref_slice %arg3[%dma_start3A_29, %dma_start3A_30] : memref<1000000x64xf32, #tpu.memory_space<hbm>> -> memref<1000000x64xf32, #tpu.memory_space<hbm>>
    %dma_start3A_32 = tpu.memref_slice %arg8[%dma_start3A_21] : memref<2x!tpu.dma_semaphore, #tpu.memory_space<semaphore_mem>> -> memref<1x!tpu.dma_semaphore, #tpu.memory_space<semaphore_mem>>
    %dma_start3A_33 = tpu.memref_squeeze %dma_start3A_32 : memref<1x!tpu.dma_semaphore, #tpu.memory_space<semaphore_mem>> -> memref<!tpu.dma_semaphore, #tpu.memory_space<semaphore_mem>>
    tpu.enqueue_indirect_dma source(%dma_start3A_31 : memref<1000000x64xf32, #tpu.memory_space<hbm>>) target(%dma_start3A_25 : memref<100x64xf32, #tpu.memory_space<vmem>>) offsets(%dma_start3A_28 : memref<100xi32, #tpu.memory_space<vmem>>) semaphore(%dma_start3A_33 : memref<!tpu.dma_semaphore, #tpu.memory_space<semaphore_mem>>)
    %scan3A = arith.constant 0 : i32
    %scan3A_34 = arith.constant 128 : i32
    %scan3A_35 = arith.addi %scan3A, %scan3A_34 : i32
    %scan3A_36 = arith.constant 1 : i32
    scf.for %scan3A_40 = %scan3A to %scan3A_35 step %scan3A_36  : i32 {
      %mul3A_41 = arith.constant 2 : i32
      %mul3A_42 = arith.muli %scan3A_40, %mul3A_41 : i32
      %add3A_43 = arith.constant 0 : i32
      %add3A_44 = arith.addi %add3A_43, %mul3A_42 : i32
      %add3A_45 = arith.constant 0 : i32
      %add3A_46 = arith.addi %add3A_44, %add3A_45 : i32
      %add3A_47 = arith.constant 1 : i32
      %add3A_48 = arith.addi %add3A_46, %add3A_47 : i32
      %lt3A = arith.constant 256 : i32
      %lt3A_49 = arith.cmpi slt, %add3A_48, %lt3A : i32
      %convert_element_type3A = arith.extui %lt3A_49 : i1 to i32
      %cond3A = arith.constant 0 : i32
      %cond3A_50 = arith.cmpi ne, %convert_element_type3A, %cond3A : i32
      scf.if %cond3A_50 {
        %add3A_205 = arith.constant 1 : i32
        %add3A_206 = arith.addi %add3A_46, %add3A_205 : i32
        %mul3A_207 = arith.constant 2 : i32
        %mul3A_208 = arith.muli %mul3A_207, %add3A_206 : i32
        %mul3A_209 = arith.constant 2 : i32
        %mul3A_210 = arith.muli %mul3A_209, %add3A_206 : i32
        %add3A_211 = arith.constant 1 : i32
        %add3A_212 = arith.addi %mul3A_210, %add3A_211 : i32
        %dma_start3A_213 = arith.constant 1 : i32
        %dma_start3A_214 = arith.constant 1 : i32
        %dma_start3A_215 = arith.constant 0 : i32
        %dma_start3A_216 = arith.constant 0 : i32
        %dma_start3A_217 = tpu.memref_slice %arg6[%dma_start3A_213, %dma_start3A_215, %dma_start3A_216] : memref<2x200x64xf32, #tpu.memory_space<vmem>> -> memref<1x100x64xf32, #tpu.memory_space<vmem>>
        %dma_start3A_218 = tpu.memref_squeeze %dma_start3A_217 : memref<1x100x64xf32, #tpu.memory_space<vmem>> -> memref<100x64xf32, #tpu.memory_space<vmem>>
        %dma_start3A_219 = arith.constant 0 : i32
        %dma_start3A_220 = tpu.memref_slice %arg5[%mul3A_208, %dma_start3A_219] : memref<512x100xi32, #tpu.memory_space<vmem>> -> memref<1x100xi32, #tpu.memory_space<vmem>>
        %dma_start3A_221 = tpu.memref_squeeze %dma_start3A_220 : memref<1x100xi32, #tpu.memory_space<vmem>> -> memref<100xi32, #tpu.memory_space<vmem>>
        %dma_start3A_222 = arith.constant 0 : i32
        %dma_start3A_223 = arith.constant 0 : i32
        %dma_start3A_224 = tpu.memref_slice %arg3[%dma_start3A_222, %dma_start3A_223] : memref<1000000x64xf32, #tpu.memory_space<hbm>> -> memref<1000000x64xf32, #tpu.memory_space<hbm>>
        %dma_start3A_225 = tpu.memref_slice %arg8[%dma_start3A_214] : memref<2x!tpu.dma_semaphore, #tpu.memory_space<semaphore_mem>> -> memref<1x!tpu.dma_semaphore, #tpu.memory_space<semaphore_mem>>
        %dma_start3A_226 = tpu.memref_squeeze %dma_start3A_225 : memref<1x!tpu.dma_semaphore, #tpu.memory_space<semaphore_mem>> -> memref<!tpu.dma_semaphore, #tpu.memory_space<semaphore_mem>>
        tpu.enqueue_indirect_dma source(%dma_start3A_224 : memref<1000000x64xf32, #tpu.memory_space<hbm>>) target(%dma_start3A_218 : memref<100x64xf32, #tpu.memory_space<vmem>>) offsets(%dma_start3A_221 : memref<100xi32, #tpu.memory_space<vmem>>) semaphore(%dma_start3A_226 : memref<!tpu.dma_semaphore, #tpu.memory_space<semaphore_mem>>)
        %dma_start3A_227 = arith.constant 1 : i32
        %dma_start3A_228 = arith.constant 1 : i32
        %dma_start3A_229 = arith.constant 100 : i32
        %dma_start3A_230 = arith.constant 0 : i32
        %dma_start3A_231 = tpu.memref_slice %arg6[%dma_start3A_227, %dma_start3A_229, %dma_start3A_230] : memref<2x200x64xf32, #tpu.memory_space<vmem>> -> memref<1x100x64xf32, #tpu.memory_space<vmem>>
        %dma_start3A_232 = tpu.memref_squeeze %dma_start3A_231 : memref<1x100x64xf32, #tpu.memory_space<vmem>> -> memref<100x64xf32, #tpu.memory_space<vmem>>
        %dma_start3A_233 = arith.constant 0 : i32
        %dma_start3A_234 = tpu.memref_slice %arg5[%add3A_212, %dma_start3A_233] : memref<512x100xi32, #tpu.memory_space<vmem>> -> memref<1x100xi32, #tpu.memory_space<vmem>>
        %dma_start3A_235 = tpu.memref_squeeze %dma_start3A_234 : memref<1x100xi32, #tpu.memory_space<vmem>> -> memref<100xi32, #tpu.memory_space<vmem>>
        %dma_start3A_236 = arith.constant 0 : i32
        %dma_start3A_237 = arith.constant 0 : i32
        %dma_start3A_238 = tpu.memref_slice %arg3[%dma_start3A_236, %dma_start3A_237] : memref<1000000x64xf32, #tpu.memory_space<hbm>> -> memref<1000000x64xf32, #tpu.memory_space<hbm>>
        %dma_start3A_239 = tpu.memref_slice %arg8[%dma_start3A_228] : memref<2x!tpu.dma_semaphore, #tpu.memory_space<semaphore_mem>> -> memref<1x!tpu.dma_semaphore, #tpu.memory_space<semaphore_mem>>
        %dma_start3A_240 = tpu.memref_squeeze %dma_start3A_239 : memref<1x!tpu.dma_semaphore, #tpu.memory_space<semaphore_mem>> -> memref<!tpu.dma_semaphore, #tpu.memory_space<semaphore_mem>>
        tpu.enqueue_indirect_dma source(%dma_start3A_238 : memref<1000000x64xf32, #tpu.memory_space<hbm>>) target(%dma_start3A_232 : memref<100x64xf32, #tpu.memory_space<vmem>>) offsets(%dma_start3A_235 : memref<100xi32, #tpu.memory_space<vmem>>) semaphore(%dma_start3A_240 : memref<!tpu.dma_semaphore, #tpu.memory_space<semaphore_mem>>)
      } else {
      }
      %mul3A_51 = arith.constant 2 : i32
      %mul3A_52 = arith.muli %mul3A_51, %add3A_46 : i32
      %mul3A_53 = arith.constant 2 : i32
      %mul3A_54 = arith.muli %mul3A_53, %add3A_46 : i32
      %add3A_55 = arith.constant 1 : i32
      %add3A_56 = arith.addi %mul3A_54, %add3A_55 : i32
      %dma_wait3A = arith.constant 0 : i32
      %dma_wait3A_57 = arith.constant 0 : i32
      %dma_wait3A_58 = arith.constant 0 : i32
      %dma_wait3A_59 = arith.constant 0 : i32
      %dma_wait3A_60 = tpu.memref_slice %arg6[%dma_wait3A, %dma_wait3A_58, %dma_wait3A_59] : memref<2x200x64xf32, #tpu.memory_space<vmem>> -> memref<1x100x64xf32, #tpu.memory_space<vmem>>
      %dma_wait3A_61 = tpu.memref_squeeze %dma_wait3A_60 : memref<1x100x64xf32, #tpu.memory_space<vmem>> -> memref<100x64xf32, #tpu.memory_space<vmem>>
      %dma_wait3A_62 = arith.constant 0 : i32
      %dma_wait3A_63 = tpu.memref_slice %arg5[%mul3A_52, %dma_wait3A_62] : memref<512x100xi32, #tpu.memory_space<vmem>> -> memref<1x100xi32, #tpu.memory_space<vmem>>
      %dma_wait3A_64 = tpu.memref_squeeze %dma_wait3A_63 : memref<1x100xi32, #tpu.memory_space<vmem>> -> memref<100xi32, #tpu.memory_space<vmem>>
      %dma_wait3A_65 = arith.constant 0 : i32
      %dma_wait3A_66 = arith.constant 0 : i32
      %dma_wait3A_67 = tpu.memref_slice %arg3[%dma_wait3A_65, %dma_wait3A_66] : memref<1000000x64xf32, #tpu.memory_space<hbm>> -> memref<1000000x64xf32, #tpu.memory_space<hbm>>
      %dma_wait3A_68 = tpu.memref_slice %arg8[%dma_wait3A_57] : memref<2x!tpu.dma_semaphore, #tpu.memory_space<semaphore_mem>> -> memref<1x!tpu.dma_semaphore, #tpu.memory_space<semaphore_mem>>
      %dma_wait3A_69 = tpu.memref_squeeze %dma_wait3A_68 : memref<1x!tpu.dma_semaphore, #tpu.memory_space<semaphore_mem>> -> memref<!tpu.dma_semaphore, #tpu.memory_space<semaphore_mem>>
      tpu.wait_indirect_dma semaphore(%dma_wait3A_69 : memref<!tpu.dma_semaphore, #tpu.memory_space<semaphore_mem>>) src(%dma_wait3A_67 : memref<1000000x64xf32, #tpu.memory_space<hbm>>) dst(%dma_wait3A_61 : memref<100x64xf32, #tpu.memory_space<vmem>>)
      %dma_wait3A_70 = arith.constant 0 : i32
      %dma_wait3A_71 = arith.constant 0 : i32
      %dma_wait3A_72 = arith.constant 100 : i32
      %dma_wait3A_73 = arith.constant 0 : i32
      %dma_wait3A_74 = tpu.memref_slice %arg6[%dma_wait3A_70, %dma_wait3A_72, %dma_wait3A_73] : memref<2x200x64xf32, #tpu.memory_space<vmem>> -> memref<1x100x64xf32, #tpu.memory_space<vmem>>
      %dma_wait3A_75 = tpu.memref_squeeze %dma_wait3A_74 : memref<1x100x64xf32, #tpu.memory_space<vmem>> -> memref<100x64xf32, #tpu.memory_space<vmem>>
      %dma_wait3A_76 = arith.constant 0 : i32
      %dma_wait3A_77 = tpu.memref_slice %arg5[%add3A_56, %dma_wait3A_76] : memref<512x100xi32, #tpu.memory_space<vmem>> -> memref<1x100xi32, #tpu.memory_space<vmem>>
      %dma_wait3A_78 = tpu.memref_squeeze %dma_wait3A_77 : memref<1x100xi32, #tpu.memory_space<vmem>> -> memref<100xi32, #tpu.memory_space<vmem>>
      %dma_wait3A_79 = arith.constant 0 : i32
      %dma_wait3A_80 = arith.constant 0 : i32
      %dma_wait3A_81 = tpu.memref_slice %arg3[%dma_wait3A_79, %dma_wait3A_80] : memref<1000000x64xf32, #tpu.memory_space<hbm>> -> memref<1000000x64xf32, #tpu.memory_space<hbm>>
      %dma_wait3A_82 = tpu.memref_slice %arg8[%dma_wait3A_71] : memref<2x!tpu.dma_semaphore, #tpu.memory_space<semaphore_mem>> -> memref<1x!tpu.dma_semaphore, #tpu.memory_space<semaphore_mem>>
      %dma_wait3A_83 = tpu.memref_squeeze %dma_wait3A_82 : memref<1x!tpu.dma_semaphore, #tpu.memory_space<semaphore_mem>> -> memref<!tpu.dma_semaphore, #tpu.memory_space<semaphore_mem>>
      tpu.wait_indirect_dma semaphore(%dma_wait3A_83 : memref<!tpu.dma_semaphore, #tpu.memory_space<semaphore_mem>>) src(%dma_wait3A_81 : memref<1000000x64xf32, #tpu.memory_space<hbm>>) dst(%dma_wait3A_75 : memref<100x64xf32, #tpu.memory_space<vmem>>)
      %broadcast_in_dim3A = arith.constant 0.000000e+00 : f32
      %broadcast_in_dim3A_84 = vector.broadcast %broadcast_in_dim3A : f32 to vector<16xf32>
      %scan3A_85 = arith.constant 0 : i32
      %scan3A_86 = arith.constant 200 : i32
      %scan3A_87 = arith.addi %scan3A_85, %scan3A_86 : i32
      %scan3A_88 = arith.constant 1 : i32
      %scan3A_89:4 = scf.for %scan3A_205 = %scan3A_85 to %scan3A_87 step %scan3A_88 iter_args(%scan3A_206 = %broadcast_in_dim3A_84, %scan3A_207 = %broadcast_in_dim3A_84, %scan3A_208 = %broadcast_in_dim3A_84, %scan3A_209 = %broadcast_in_dim3A_84) -> (vector<16xf32>, vector<16xf32>, vector<16xf32>, vector<16xf32>)  : i32 {
        %get3A = arith.constant 0 : i32
        %get3A_210 = arith.index_cast %get3A : i32 to index
        %get3A_211 = arith.index_cast %scan3A_205 : i32 to index
        %get3A_212 = arith.constant 0 : index
        %get3A_213 = tpu.vector_load %arg6[%get3A_210, %get3A_211, %get3A_212] {strides = array<i32>} : memref<2x200x64xf32, #tpu.memory_space<vmem>>, vector<1x1x16xf32>,
        %get3A_214 = vector.shape_cast %get3A_213 : vector<1x1x16xf32> to vector<16xf32>
        %add3A_215 = arith.addf %scan3A_206, %get3A_214 : vector<16xf32>
        %get3A_216 = arith.constant 0 : i32
        %get3A_217 = arith.index_cast %get3A_216 : i32 to index
        %get3A_218 = arith.index_cast %scan3A_205 : i32 to index
        %get3A_219 = arith.constant 16 : index
        %get3A_220 = tpu.vector_load %arg6[%get3A_217, %get3A_218, %get3A_219] {strides = array<i32>} : memref<2x200x64xf32, #tpu.memory_space<vmem>>, vector<1x1x16xf32>,
        %get3A_221 = vector.shape_cast %get3A_220 : vector<1x1x16xf32> to vector<16xf32>
        %add3A_222 = arith.addf %scan3A_207, %get3A_221 : vector<16xf32>
        %get3A_223 = arith.constant 0 : i32
        %get3A_224 = arith.index_cast %get3A_223 : i32 to index
        %get3A_225 = arith.index_cast %scan3A_205 : i32 to index
        %get3A_226 = arith.constant 32 : index
        %get3A_227 = tpu.vector_load %arg6[%get3A_224, %get3A_225, %get3A_226] {strides = array<i32>} : memref<2x200x64xf32, #tpu.memory_space<vmem>>, vector<1x1x16xf32>,
        %get3A_228 = vector.shape_cast %get3A_227 : vector<1x1x16xf32> to vector<16xf32>
        %add3A_229 = arith.addf %scan3A_208, %get3A_228 : vector<16xf32>
        %get3A_230 = arith.constant 0 : i32
        %get3A_231 = arith.index_cast %get3A_230 : i32 to index
        %get3A_232 = arith.index_cast %scan3A_205 : i32 to index
        %get3A_233 = arith.constant 48 : index
        %get3A_234 = tpu.vector_load %arg6[%get3A_231, %get3A_232, %get3A_233] {strides = array<i32>} : memref<2x200x64xf32, #tpu.memory_space<vmem>>, vector<1x1x16xf32>,
        %get3A_235 = vector.shape_cast %get3A_234 : vector<1x1x16xf32> to vector<16xf32>
        %add3A_236 = arith.addf %scan3A_209, %get3A_235 : vector<16xf32>
        scf.yield %add3A_215, %add3A_222, %add3A_229, %add3A_236 : vector<16xf32>, vector<16xf32>, vector<16xf32>, vector<16xf32>
      }
      %scan3A_90 = arith.constant 200 : i32
      %mul3A_91 = arith.constant 64 : i32
      %mul3A_92 = arith.muli %add3A_46, %mul3A_91 : i32
      %add3A_93 = arith.constant 0 : i32
      %add3A_94 = arith.addi %mul3A_92, %add3A_93 : i32
      %swap3A = arith.index_cast %add3A_94 : i32 to index
      %swap3A_95 = tpu.vector_load %arg7[%swap3A] {strides = array<i32>} : memref<16384xf32, #tpu.memory_space<vmem>>, vector<16xf32>,
      %swap3A_96 = vector.shape_cast %swap3A_95 : vector<16xf32> to vector<16xf32>
      %swap3A_97 = vector.shape_cast %scan3A_89#0 : vector<16xf32> to vector<16xf32>
      tpu.vector_store %arg7[%swap3A], %swap3A_97 {strides = array<i32>} : memref<16384xf32, #tpu.memory_space<vmem>>, vector<16xf32>,
      %mul3A_98 = arith.constant 64 : i32
      %mul3A_99 = arith.muli %add3A_46, %mul3A_98 : i32
      %add3A_100 = arith.constant 16 : i32
      %add3A_101 = arith.addi %mul3A_99, %add3A_100 : i32
      %swap3A_102 = arith.index_cast %add3A_101 : i32 to index
      %swap3A_103 = tpu.vector_load %arg7[%swap3A_102] {strides = array<i32>} : memref<16384xf32, #tpu.memory_space<vmem>>, vector<16xf32>,
      %swap3A_104 = vector.shape_cast %swap3A_103 : vector<16xf32> to vector<16xf32>
      %swap3A_105 = vector.shape_cast %scan3A_89#1 : vector<16xf32> to vector<16xf32>
      tpu.vector_store %arg7[%swap3A_102], %swap3A_105 {strides = array<i32>} : memref<16384xf32, #tpu.memory_space<vmem>>, vector<16xf32>,
      %mul3A_106 = arith.constant 64 : i32
      %mul3A_107 = arith.muli %add3A_46, %mul3A_106 : i32
      %add3A_108 = arith.constant 32 : i32
      %add3A_109 = arith.addi %mul3A_107, %add3A_108 : i32
      %swap3A_110 = arith.index_cast %add3A_109 : i32 to index
      %swap3A_111 = tpu.vector_load %arg7[%swap3A_110] {strides = array<i32>} : memref<16384xf32, #tpu.memory_space<vmem>>, vector<16xf32>,
      %swap3A_112 = vector.shape_cast %swap3A_111 : vector<16xf32> to vector<16xf32>
      %swap3A_113 = vector.shape_cast %scan3A_89#2 : vector<16xf32> to vector<16xf32>
      tpu.vector_store %arg7[%swap3A_110], %swap3A_113 {strides = array<i32>} : memref<16384xf32, #tpu.memory_space<vmem>>, vector<16xf32>,
      %mul3A_114 = arith.constant 64 : i32
      %mul3A_115 = arith.muli %add3A_46, %mul3A_114 : i32
      %add3A_116 = arith.constant 48 : i32
      %add3A_117 = arith.addi %mul3A_115, %add3A_116 : i32
      %swap3A_118 = arith.index_cast %add3A_117 : i32 to index
      %swap3A_119 = tpu.vector_load %arg7[%swap3A_118] {strides = array<i32>} : memref<16384xf32, #tpu.memory_space<vmem>>, vector<16xf32>,
      %swap3A_120 = vector.shape_cast %swap3A_119 : vector<16xf32> to vector<16xf32>
      %swap3A_121 = vector.shape_cast %scan3A_89#3 : vector<16xf32> to vector<16xf32>
      tpu.vector_store %arg7[%swap3A_118], %swap3A_121 {strides = array<i32>} : memref<16384xf32, #tpu.memory_space<vmem>>, vector<16xf32>,
      %add3A_122 = arith.constant 1 : i32
      %add3A_123 = arith.addi %add3A_44, %add3A_122 : i32
      %add3A_124 = arith.constant 1 : i32
      %add3A_125 = arith.addi %add3A_123, %add3A_124 : i32
      %lt3A_126 = arith.constant 256 : i32
      %lt3A_127 = arith.cmpi slt, %add3A_125, %lt3A_126 : i32
      %convert_element_type3A_128 = arith.extui %lt3A_127 : i1 to i32
      %cond3A_129 = arith.constant 0 : i32
      %cond3A_130 = arith.cmpi ne, %convert_element_type3A_128, %cond3A_129 : i32
      scf.if %cond3A_130 {
        %add3A_205 = arith.constant 1 : i32
        %add3A_206 = arith.addi %add3A_123, %add3A_205 : i32
        %mul3A_207 = arith.constant 2 : i32
        %mul3A_208 = arith.muli %mul3A_207, %add3A_206 : i32
        %mul3A_209 = arith.constant 2 : i32
        %mul3A_210 = arith.muli %mul3A_209, %add3A_206 : i32
        %add3A_211 = arith.constant 1 : i32
        %add3A_212 = arith.addi %mul3A_210, %add3A_211 : i32
        %dma_start3A_213 = arith.constant 0 : i32
        %dma_start3A_214 = arith.constant 0 : i32
        %dma_start3A_215 = arith.constant 0 : i32
        %dma_start3A_216 = arith.constant 0 : i32
        %dma_start3A_217 = tpu.memref_slice %arg6[%dma_start3A_213, %dma_start3A_215, %dma_start3A_216] : memref<2x200x64xf32, #tpu.memory_space<vmem>> -> memref<1x100x64xf32, #tpu.memory_space<vmem>>
        %dma_start3A_218 = tpu.memref_squeeze %dma_start3A_217 : memref<1x100x64xf32, #tpu.memory_space<vmem>> -> memref<100x64xf32, #tpu.memory_space<vmem>>
        %dma_start3A_219 = arith.constant 0 : i32
        %dma_start3A_220 = tpu.memref_slice %arg5[%mul3A_208, %dma_start3A_219] : memref<512x100xi32, #tpu.memory_space<vmem>> -> memref<1x100xi32, #tpu.memory_space<vmem>>
        %dma_start3A_221 = tpu.memref_squeeze %dma_start3A_220 : memref<1x100xi32, #tpu.memory_space<vmem>> -> memref<100xi32, #tpu.memory_space<vmem>>
        %dma_start3A_222 = arith.constant 0 : i32
        %dma_start3A_223 = arith.constant 0 : i32
        %dma_start3A_224 = tpu.memref_slice %arg3[%dma_start3A_222, %dma_start3A_223] : memref<1000000x64xf32, #tpu.memory_space<hbm>> -> memref<1000000x64xf32, #tpu.memory_space<hbm>>
        %dma_start3A_225 = tpu.memref_slice %arg8[%dma_start3A_214] : memref<2x!tpu.dma_semaphore, #tpu.memory_space<semaphore_mem>> -> memref<1x!tpu.dma_semaphore, #tpu.memory_space<semaphore_mem>>
        %dma_start3A_226 = tpu.memref_squeeze %dma_start3A_225 : memref<1x!tpu.dma_semaphore, #tpu.memory_space<semaphore_mem>> -> memref<!tpu.dma_semaphore, #tpu.memory_space<semaphore_mem>>
        tpu.enqueue_indirect_dma source(%dma_start3A_224 : memref<1000000x64xf32, #tpu.memory_space<hbm>>) target(%dma_start3A_218 : memref<100x64xf32, #tpu.memory_space<vmem>>) offsets(%dma_start3A_221 : memref<100xi32, #tpu.memory_space<vmem>>) semaphore(%dma_start3A_226 : memref<!tpu.dma_semaphore, #tpu.memory_space<semaphore_mem>>)
        %dma_start3A_227 = arith.constant 0 : i32
        %dma_start3A_228 = arith.constant 0 : i32
        %dma_start3A_229 = arith.constant 100 : i32
        %dma_start3A_230 = arith.constant 0 : i32
        %dma_start3A_231 = tpu.memref_slice %arg6[%dma_start3A_227, %dma_start3A_229, %dma_start3A_230] : memref<2x200x64xf32, #tpu.memory_space<vmem>> -> memref<1x100x64xf32, #tpu.memory_space<vmem>>
        %dma_start3A_232 = tpu.memref_squeeze %dma_start3A_231 : memref<1x100x64xf32, #tpu.memory_space<vmem>> -> memref<100x64xf32, #tpu.memory_space<vmem>>
        %dma_start3A_233 = arith.constant 0 : i32
        %dma_start3A_234 = tpu.memref_slice %arg5[%add3A_212, %dma_start3A_233] : memref<512x100xi32, #tpu.memory_space<vmem>> -> memref<1x100xi32, #tpu.memory_space<vmem>>
        %dma_start3A_235 = tpu.memref_squeeze %dma_start3A_234 : memref<1x100xi32, #tpu.memory_space<vmem>> -> memref<100xi32, #tpu.memory_space<vmem>>
        %dma_start3A_236 = arith.constant 0 : i32
        %dma_start3A_237 = arith.constant 0 : i32
        %dma_start3A_238 = tpu.memref_slice %arg3[%dma_start3A_236, %dma_start3A_237] : memref<1000000x64xf32, #tpu.memory_space<hbm>> -> memref<1000000x64xf32, #tpu.memory_space<hbm>>
        %dma_start3A_239 = tpu.memref_slice %arg8[%dma_start3A_228] : memref<2x!tpu.dma_semaphore, #tpu.memory_space<semaphore_mem>> -> memref<1x!tpu.dma_semaphore, #tpu.memory_space<semaphore_mem>>
        %dma_start3A_240 = tpu.memref_squeeze %dma_start3A_239 : memref<1x!tpu.dma_semaphore, #tpu.memory_space<semaphore_mem>> -> memref<!tpu.dma_semaphore, #tpu.memory_space<semaphore_mem>>
        tpu.enqueue_indirect_dma source(%dma_start3A_238 : memref<1000000x64xf32, #tpu.memory_space<hbm>>) target(%dma_start3A_232 : memref<100x64xf32, #tpu.memory_space<vmem>>) offsets(%dma_start3A_235 : memref<100xi32, #tpu.memory_space<vmem>>) semaphore(%dma_start3A_240 : memref<!tpu.dma_semaphore, #tpu.memory_space<semaphore_mem>>)
      } else {
      }
      %mul3A_131 = arith.constant 2 : i32
      %mul3A_132 = arith.muli %mul3A_131, %add3A_123 : i32
      %mul3A_133 = arith.constant 2 : i32
      %mul3A_134 = arith.muli %mul3A_133, %add3A_123 : i32
      %add3A_135 = arith.constant 1 : i32
      %add3A_136 = arith.addi %mul3A_134, %add3A_135 : i32
      %dma_wait3A_137 = arith.constant 1 : i32
      %dma_wait3A_138 = arith.constant 1 : i32
      %dma_wait3A_139 = arith.constant 0 : i32
      %dma_wait3A_140 = arith.constant 0 : i32
      %dma_wait3A_141 = tpu.memref_slice %arg6[%dma_wait3A_137, %dma_wait3A_139, %dma_wait3A_140] : memref<2x200x64xf32, #tpu.memory_space<vmem>> -> memref<1x100x64xf32, #tpu.memory_space<vmem>>
      %dma_wait3A_142 = tpu.memref_squeeze %dma_wait3A_141 : memref<1x100x64xf32, #tpu.memory_space<vmem>> -> memref<100x64xf32, #tpu.memory_space<vmem>>
      %dma_wait3A_143 = arith.constant 0 : i32
      %dma_wait3A_144 = tpu.memref_slice %arg5[%mul3A_132, %dma_wait3A_143] : memref<512x100xi32, #tpu.memory_space<vmem>> -> memref<1x100xi32, #tpu.memory_space<vmem>>
      %dma_wait3A_145 = tpu.memref_squeeze %dma_wait3A_144 : memref<1x100xi32, #tpu.memory_space<vmem>> -> memref<100xi32, #tpu.memory_space<vmem>>
      %dma_wait3A_146 = arith.constant 0 : i32
      %dma_wait3A_147 = arith.constant 0 : i32
      %dma_wait3A_148 = tpu.memref_slice %arg3[%dma_wait3A_146, %dma_wait3A_147] : memref<1000000x64xf32, #tpu.memory_space<hbm>> -> memref<1000000x64xf32, #tpu.memory_space<hbm>>
      %dma_wait3A_149 = tpu.memref_slice %arg8[%dma_wait3A_138] : memref<2x!tpu.dma_semaphore, #tpu.memory_space<semaphore_mem>> -> memref<1x!tpu.dma_semaphore, #tpu.memory_space<semaphore_mem>>
      %dma_wait3A_150 = tpu.memref_squeeze %dma_wait3A_149 : memref<1x!tpu.dma_semaphore, #tpu.memory_space<semaphore_mem>> -> memref<!tpu.dma_semaphore, #tpu.memory_space<semaphore_mem>>
      tpu.wait_indirect_dma semaphore(%dma_wait3A_150 : memref<!tpu.dma_semaphore, #tpu.memory_space<semaphore_mem>>) src(%dma_wait3A_148 : memref<1000000x64xf32, #tpu.memory_space<hbm>>) dst(%dma_wait3A_142 : memref<100x64xf32, #tpu.memory_space<vmem>>)
      %dma_wait3A_151 = arith.constant 1 : i32
      %dma_wait3A_152 = arith.constant 1 : i32
      %dma_wait3A_153 = arith.constant 100 : i32
      %dma_wait3A_154 = arith.constant 0 : i32
      %dma_wait3A_155 = tpu.memref_slice %arg6[%dma_wait3A_151, %dma_wait3A_153, %dma_wait3A_154] : memref<2x200x64xf32, #tpu.memory_space<vmem>> -> memref<1x100x64xf32, #tpu.memory_space<vmem>>
      %dma_wait3A_156 = tpu.memref_squeeze %dma_wait3A_155 : memref<1x100x64xf32, #tpu.memory_space<vmem>> -> memref<100x64xf32, #tpu.memory_space<vmem>>
      %dma_wait3A_157 = arith.constant 0 : i32
      %dma_wait3A_158 = tpu.memref_slice %arg5[%add3A_136, %dma_wait3A_157] : memref<512x100xi32, #tpu.memory_space<vmem>> -> memref<1x100xi32, #tpu.memory_space<vmem>>
      %dma_wait3A_159 = tpu.memref_squeeze %dma_wait3A_158 : memref<1x100xi32, #tpu.memory_space<vmem>> -> memref<100xi32, #tpu.memory_space<vmem>>
      %dma_wait3A_160 = arith.constant 0 : i32
      %dma_wait3A_161 = arith.constant 0 : i32
      %dma_wait3A_162 = tpu.memref_slice %arg3[%dma_wait3A_160, %dma_wait3A_161] : memref<1000000x64xf32, #tpu.memory_space<hbm>> -> memref<1000000x64xf32, #tpu.memory_space<hbm>>
      %dma_wait3A_163 = tpu.memref_slice %arg8[%dma_wait3A_152] : memref<2x!tpu.dma_semaphore, #tpu.memory_space<semaphore_mem>> -> memref<1x!tpu.dma_semaphore, #tpu.memory_space<semaphore_mem>>
      %dma_wait3A_164 = tpu.memref_squeeze %dma_wait3A_163 : memref<1x!tpu.dma_semaphore, #tpu.memory_space<semaphore_mem>> -> memref<!tpu.dma_semaphore, #tpu.memory_space<semaphore_mem>>
      tpu.wait_indirect_dma semaphore(%dma_wait3A_164 : memref<!tpu.dma_semaphore, #tpu.memory_space<semaphore_mem>>) src(%dma_wait3A_162 : memref<1000000x64xf32, #tpu.memory_space<hbm>>) dst(%dma_wait3A_156 : memref<100x64xf32, #tpu.memory_space<vmem>>)
      %broadcast_in_dim3A_165 = arith.constant 0.000000e+00 : f32
      %broadcast_in_dim3A_166 = vector.broadcast %broadcast_in_dim3A_165 : f32 to vector<16xf32>
      %scan3A_167 = arith.constant 0 : i32
      %scan3A_168 = arith.constant 200 : i32
      %scan3A_169 = arith.addi %scan3A_167, %scan3A_168 : i32
      %scan3A_170 = arith.constant 1 : i32
      %scan3A_171:4 = scf.for %scan3A_205 = %scan3A_167 to %scan3A_169 step %scan3A_170 iter_args(%scan3A_206 = %broadcast_in_dim3A_166, %scan3A_207 = %broadcast_in_dim3A_166, %scan3A_208 = %broadcast_in_dim3A_166, %scan3A_209 = %broadcast_in_dim3A_166) -> (vector<16xf32>, vector<16xf32>, vector<16xf32>, vector<16xf32>)  : i32 {
        %get3A = arith.constant 1 : i32
        %get3A_210 = arith.index_cast %get3A : i32 to index
        %get3A_211 = arith.index_cast %scan3A_205 : i32 to index
        %get3A_212 = arith.constant 0 : index
        %get3A_213 = tpu.vector_load %arg6[%get3A_210, %get3A_211, %get3A_212] {strides = array<i32>} : memref<2x200x64xf32, #tpu.memory_space<vmem>>, vector<1x1x16xf32>,
        %get3A_214 = vector.shape_cast %get3A_213 : vector<1x1x16xf32> to vector<16xf32>
        %add3A_215 = arith.addf %scan3A_206, %get3A_214 : vector<16xf32>
        %get3A_216 = arith.constant 1 : i32
        %get3A_217 = arith.index_cast %get3A_216 : i32 to index
        %get3A_218 = arith.index_cast %scan3A_205 : i32 to index
        %get3A_219 = arith.constant 16 : index
        %get3A_220 = tpu.vector_load %arg6[%get3A_217, %get3A_218, %get3A_219] {strides = array<i32>} : memref<2x200x64xf32, #tpu.memory_space<vmem>>, vector<1x1x16xf32>,
        %get3A_221 = vector.shape_cast %get3A_220 : vector<1x1x16xf32> to vector<16xf32>
        %add3A_222 = arith.addf %scan3A_207, %get3A_221 : vector<16xf32>
        %get3A_223 = arith.constant 1 : i32
        %get3A_224 = arith.index_cast %get3A_223 : i32 to index
        %get3A_225 = arith.index_cast %scan3A_205 : i32 to index
        %get3A_226 = arith.constant 32 : index
        %get3A_227 = tpu.vector_load %arg6[%get3A_224, %get3A_225, %get3A_226] {strides = array<i32>} : memref<2x200x64xf32, #tpu.memory_space<vmem>>, vector<1x1x16xf32>,
        %get3A_228 = vector.shape_cast %get3A_227 : vector<1x1x16xf32> to vector<16xf32>
        %add3A_229 = arith.addf %scan3A_208, %get3A_228 : vector<16xf32>
        %get3A_230 = arith.constant 1 : i32
        %get3A_231 = arith.index_cast %get3A_230 : i32 to index
        %get3A_232 = arith.index_cast %scan3A_205 : i32 to index
        %get3A_233 = arith.constant 48 : index
        %get3A_234 = tpu.vector_load %arg6[%get3A_231, %get3A_232, %get3A_233] {strides = array<i32>} : memref<2x200x64xf32, #tpu.memory_space<vmem>>, vector<1x1x16xf32>,
        %get3A_235 = vector.shape_cast %get3A_234 : vector<1x1x16xf32> to vector<16xf32>
        %add3A_236 = arith.addf %scan3A_209, %get3A_235 : vector<16xf32>
        scf.yield %add3A_215, %add3A_222, %add3A_229, %add3A_236 : vector<16xf32>, vector<16xf32>, vector<16xf32>, vector<16xf32>
      }
      %scan3A_172 = arith.constant 200 : i32
      %mul3A_173 = arith.constant 64 : i32
      %mul3A_174 = arith.muli %add3A_123, %mul3A_173 : i32
      %add3A_175 = arith.constant 0 : i32
      %add3A_176 = arith.addi %mul3A_174, %add3A_175 : i32
      %swap3A_177 = arith.index_cast %add3A_176 : i32 to index
      %swap3A_178 = tpu.vector_load %arg7[%swap3A_177] {strides = array<i32>} : memref<16384xf32, #tpu.memory_space<vmem>>, vector<16xf32>,
      %swap3A_179 = vector.shape_cast %swap3A_178 : vector<16xf32> to vector<16xf32>
      %swap3A_180 = vector.shape_cast %scan3A_171#0 : vector<16xf32> to vector<16xf32>
      tpu.vector_store %arg7[%swap3A_177], %swap3A_180 {strides = array<i32>} : memref<16384xf32, #tpu.memory_space<vmem>>, vector<16xf32>,
      %mul3A_181 = arith.constant 64 : i32
      %mul3A_182 = arith.muli %add3A_123, %mul3A_181 : i32
      %add3A_183 = arith.constant 16 : i32
      %add3A_184 = arith.addi %mul3A_182, %add3A_183 : i32
      %swap3A_185 = arith.index_cast %add3A_184 : i32 to index
      %swap3A_186 = tpu.vector_load %arg7[%swap3A_185] {strides = array<i32>} : memref<16384xf32, #tpu.memory_space<vmem>>, vector<16xf32>,
      %swap3A_187 = vector.shape_cast %swap3A_186 : vector<16xf32> to vector<16xf32>
      %swap3A_188 = vector.shape_cast %scan3A_171#1 : vector<16xf32> to vector<16xf32>
      tpu.vector_store %arg7[%swap3A_185], %swap3A_188 {strides = array<i32>} : memref<16384xf32, #tpu.memory_space<vmem>>, vector<16xf32>,
      %mul3A_189 = arith.constant 64 : i32
      %mul3A_190 = arith.muli %add3A_123, %mul3A_189 : i32
      %add3A_191 = arith.constant 32 : i32
      %add3A_192 = arith.addi %mul3A_190, %add3A_191 : i32
      %swap3A_193 = arith.index_cast %add3A_192 : i32 to index
      %swap3A_194 = tpu.vector_load %arg7[%swap3A_193] {strides = array<i32>} : memref<16384xf32, #tpu.memory_space<vmem>>, vector<16xf32>,
      %swap3A_195 = vector.shape_cast %swap3A_194 : vector<16xf32> to vector<16xf32>
      %swap3A_196 = vector.shape_cast %scan3A_171#2 : vector<16xf32> to vector<16xf32>
      tpu.vector_store %arg7[%swap3A_193], %swap3A_196 {strides = array<i32>} : memref<16384xf32, #tpu.memory_space<vmem>>, vector<16xf32>,
      %mul3A_197 = arith.constant 64 : i32
      %mul3A_198 = arith.muli %add3A_123, %mul3A_197 : i32
      %add3A_199 = arith.constant 48 : i32
      %add3A_200 = arith.addi %mul3A_198, %add3A_199 : i32
      %swap3A_201 = arith.index_cast %add3A_200 : i32 to index
      %swap3A_202 = tpu.vector_load %arg7[%swap3A_201] {strides = array<i32>} : memref<16384xf32, #tpu.memory_space<vmem>>, vector<16xf32>,
      %swap3A_203 = vector.shape_cast %swap3A_202 : vector<16xf32> to vector<16xf32>
      %swap3A_204 = vector.shape_cast %scan3A_171#3 : vector<16xf32> to vector<16xf32>
      tpu.vector_store %arg7[%swap3A_201], %swap3A_204 {strides = array<i32>} : memref<16384xf32, #tpu.memory_space<vmem>>, vector<16xf32>,
    }
    %scan3A_37 = arith.constant 128 : i32
    %mul3A_38 = arith.constant 64 : i32
    %mul3A_39 = arith.muli %mul3A_2, %mul3A_38 : i32
    "tpu.region"() ({
      %run_scoped3A = tpu.sem_alloc : memref<!tpu.dma_semaphore, #tpu.memory_space<semaphore_mem>>
      %dma_start3A_40 = tpu.memref_slice %arg4[%mul3A_39] : memref<524288xf32, #tpu.memory_space<hbm>> -> memref<16384xf32, #tpu.memory_space<hbm>>
      %dma_start3A_41 = tpu.memref_slice %arg4[%mul3A_39] : memref<524288xf32, #tpu.memory_space<hbm>> -> memref<16384xf32, #tpu.memory_space<hbm>>
      tpu.enqueue_dma source(%arg7 : memref<16384xf32, #tpu.memory_space<vmem>>) target(%dma_start3A_41 : memref<16384xf32, #tpu.memory_space<hbm>>) target_semaphore(%run_scoped3A : memref<!tpu.dma_semaphore, #tpu.memory_space<semaphore_mem>>)
      %dma_wait3A = tpu.memref_slice %arg4[%mul3A_39] : memref<524288xf32, #tpu.memory_space<hbm>> -> memref<16384xf32, #tpu.memory_space<hbm>>
      %dma_wait3A_42 = tpu.memref_slice %arg4[%mul3A_39] : memref<524288xf32, #tpu.memory_space<hbm>> -> memref<16384xf32, #tpu.memory_space<hbm>>
      tpu.wait_dma2 semaphore(%run_scoped3A : memref<!tpu.dma_semaphore, #tpu.memory_space<semaphore_mem>>) src(%arg7 : memref<16384xf32, #tpu.memory_space<vmem>>) dst(%dma_wait3A_42 : memref<16384xf32, #tpu.memory_space<hbm>>)
      tpu.yield
    }) : () -> ()
    return
  }
}

module attributes {stable_mosaic.version = 14 : i64} {
  func.func @_tc_post_kernel(%arg0: memref<8192x64xf32, #tpu.memory_space<vmem>>, %arg1: memref<64x64xf32, #tpu.memory_space<vmem>>, %arg2: memref<4096x1xf32, #tpu.memory_space<vmem>>, %arg3: memref<4096x128xf32, #tpu.memory_space<vmem>>, %arg4: memref<4096x1xf32, #tpu.memory_space<vmem>>, %arg5: memref<4096x128xf32, #tpu.memory_space<vmem>>) attributes {dimension_semantics = [], scalar_prefetch = 0 : i64, scratch_operands = 0 : i64, tpu.core_type = #tpu.core_type<tc>} {
    %get3A = arith.constant 0 : index
    %get3A_0 = arith.constant 0 : index
    %get3A_1 = vector.load %arg0[%get3A, %get3A_0] : memref<8192x64xf32, #tpu.memory_space<vmem>>, vector<4096x64xf32>
    %get3A_2 = arith.constant 4096 : index
    %get3A_3 = arith.constant 0 : index
    %get3A_4 = vector.load %arg0[%get3A_2, %get3A_3] : memref<8192x64xf32, #tpu.memory_space<vmem>>, vector<4096x64xf32>
    %get3A_5 = arith.constant 0 : index
    %get3A_6 = arith.constant 0 : index
    %get3A_7 = vector.load %arg1[%get3A_5, %get3A_6] : memref<64x64xf32, #tpu.memory_space<vmem>>, vector<64x64xf32>
    %dot_general3A = arith.constant dense<0.000000e+00> : vector<4096x64xf32>
    %dot_general3A_8 = tpu.matmul %get3A_1, %get3A_7, %dot_general3A {dimension_numbers = #tpu.dot_dimension_numbers<[1], [1], [0], [0], [0, 0, 1, 0], [], []>, transpose_lhs_hint = false} : vector<4096x64xf32>, vector<64x64xf32>, vector<4096x64xf32> -> vector<4096x64xf32>
    %dot_general3A_9 = arith.constant dense<0.000000e+00> : vector<4096x64xf32>
    %dot_general3A_10 = tpu.matmul %get3A_4, %get3A_7, %dot_general3A_9 {dimension_numbers = #tpu.dot_dimension_numbers<[1], [1], [0], [0], [0, 0, 1, 0], [], []>, transpose_lhs_hint = false} : vector<4096x64xf32>, vector<64x64xf32>, vector<4096x64xf32> -> vector<4096x64xf32>
    %concatenate3A = tpu.concatenate %dot_general3A_8, %dot_general3A_10 in 1 : vector<4096x64xf32>, vector<4096x64xf32> -> vector<4096x128xf32>
    %get3A_11 = arith.constant 0 : index
    %get3A_12 = arith.constant 0 : index
    %get3A_13 = vector.load %arg3[%get3A_11, %get3A_12] : memref<4096x128xf32, #tpu.memory_space<vmem>>, vector<4096x128xf32>
    %mul3A = arith.mulf %concatenate3A, %concatenate3A : vector<4096x128xf32>
    %reduce_sum3A = arith.constant dense<0.000000e+00> : vector<4096xf32>
    %reduce_sum3A_14 = vector.multi_reduction <add>, %mul3A, %reduce_sum3A [1] : vector<4096x128xf32> to vector<4096xf32>
    %broadcast_in_dim3A = vector.shape_cast %reduce_sum3A_14 : vector<4096xf32> to vector<4096x1xf32>
    %sqrt3A = math.sqrt %broadcast_in_dim3A : vector<4096x1xf32>
    %jit3A = arith.constant 0.000000e+00 : f32
    %jit3A_15 = arith.constant 1.390000e+01 : f32
    %max3A = vector.broadcast %jit3A : f32 to vector<4096x1xf32>
    %max3A_16 = arith.maximumf %max3A, %sqrt3A : vector<4096x1xf32>
    %min3A = vector.broadcast %jit3A_15 : f32 to vector<4096x1xf32>
    %min3A_17 = arith.minimumf %min3A, %max3A_16 : vector<4096x1xf32>
    %get3A_18 = arith.constant 0 : index
    %get3A_19 = arith.constant 0 : index
    %get3A_20 = vector.load %arg4[%get3A_18, %get3A_19] : memref<4096x1xf32, #tpu.memory_space<vmem>>, vector<4096x1xf32>
    %add3A = arith.addf %min3A_17, %get3A_20 : vector<4096x1xf32>
    %get3A_21 = arith.constant 0 : index
    %get3A_22 = arith.constant 0 : index
    %get3A_23 = vector.load %arg2[%get3A_21, %get3A_22] : memref<4096x1xf32, #tpu.memory_space<vmem>>, vector<4096x1xf32>
    %div3A = vector.broadcast %sqrt3A : vector<4096x1xf32> to vector<4096x128xf32>
    %div3A_24 = arith.divf %concatenate3A, %div3A : vector<4096x128xf32>
    %mul3A_25 = arith.mulf %div3A_24, %get3A_13 : vector<4096x128xf32>
    %reduce_sum3A_26 = arith.constant dense<0.000000e+00> : vector<4096xf32>
    %reduce_sum3A_27 = vector.multi_reduction <add>, %mul3A_25, %reduce_sum3A_26 [1] : vector<4096x128xf32> to vector<4096xf32>
    %broadcast_in_dim3A_28 = vector.shape_cast %reduce_sum3A_27 : vector<4096xf32> to vector<4096x1xf32>
    %mul3A_29 = arith.mulf %div3A_24, %div3A_24 : vector<4096x128xf32>
    %reduce_sum3A_30 = arith.constant dense<0.000000e+00> : vector<4096xf32>
    %reduce_sum3A_31 = vector.multi_reduction <add>, %mul3A_29, %reduce_sum3A_30 [1] : vector<4096x128xf32> to vector<4096xf32>
    %broadcast_in_dim3A_32 = vector.shape_cast %reduce_sum3A_31 : vector<4096xf32> to vector<4096x1xf32>
    %sqrt3A_33 = math.sqrt %broadcast_in_dim3A_32 : vector<4096x1xf32>
    %div3A_34 = arith.divf %broadcast_in_dim3A_28, %sqrt3A_33 : vector<4096x1xf32>
    %mul3A_35 = vector.broadcast %div3A_34 : vector<4096x1xf32> to vector<4096x128xf32>
    %mul3A_36 = arith.mulf %div3A_24, %mul3A_35 : vector<4096x128xf32>
    %sub3A = arith.subf %get3A_13, %mul3A_36 : vector<4096x128xf32>
    %mul3A_37 = arith.mulf %sub3A, %sub3A : vector<4096x128xf32>
    %reduce_sum3A_38 = arith.constant dense<0.000000e+00> : vector<4096xf32>
    %reduce_sum3A_39 = vector.multi_reduction <add>, %mul3A_37, %reduce_sum3A_38 [1] : vector<4096x128xf32> to vector<4096xf32>
    %broadcast_in_dim3A_40 = vector.shape_cast %reduce_sum3A_39 : vector<4096xf32> to vector<4096x1xf32>
    %sqrt3A_41 = math.sqrt %broadcast_in_dim3A_40 : vector<4096x1xf32>
    %div3A_42 = vector.broadcast %sqrt3A_41 : vector<4096x1xf32> to vector<4096x128xf32>
    %div3A_43 = arith.divf %sub3A, %div3A_42 : vector<4096x128xf32>
    %square3A = arith.mulf %get3A_23, %get3A_23 : vector<4096x1xf32>
    %sub3A_44 = arith.constant 1.000000e+00 : f32
    %sub3A_45 = vector.broadcast %sub3A_44 : f32 to vector<4096x1xf32>
    %sub3A_46 = arith.subf %sub3A_45, %square3A : vector<4096x1xf32>
    %sqrt3A_47 = math.sqrt %sub3A_46 : vector<4096x1xf32>
    %mul3A_48 = vector.broadcast %sqrt3A_47 : vector<4096x1xf32> to vector<4096x128xf32>
    %mul3A_49 = arith.mulf %div3A_43, %mul3A_48 : vector<4096x128xf32>
    %mul3A_50 = vector.broadcast %get3A_23 : vector<4096x1xf32> to vector<4096x128xf32>
    %mul3A_51 = arith.mulf %concatenate3A, %mul3A_50 : vector<4096x128xf32>
    %div3A_52 = vector.broadcast %sqrt3A : vector<4096x1xf32> to vector<4096x128xf32>
    %div3A_53 = arith.divf %mul3A_51, %div3A_52 : vector<4096x128xf32>
    %add3A_54 = arith.addf %mul3A_49, %div3A_53 : vector<4096x128xf32>
    %mul3A_55 = vector.broadcast %add3A : vector<4096x1xf32> to vector<4096x128xf32>
    %mul3A_56 = arith.mulf %add3A_54, %mul3A_55 : vector<4096x128xf32>
    %swap3A = arith.constant 0 : index
    %swap3A_57 = arith.constant 0 : index
    %swap3A_58 = vector.load %arg5[%swap3A, %swap3A_57] : memref<4096x128xf32, #tpu.memory_space<vmem>>, vector<4096x128xf32>
    tpu.vector_store %arg5[%swap3A, %swap3A_57], %mul3A_56 {strides = array<i32>} : memref<4096x128xf32, #tpu.memory_space<vmem>>, vector<4096x128xf32>,
    return
  }
}

</mosaic_0001>

<sc_bundles>
// kernel: kernel.4.cloned.1.call-start
scs
__scs_entry_jumppad:
0x0: {  	(pc) =	sbr.rel $0x88, $3  }
0x1: {  	(tag) =	ssettag $0x0;
	lr =	simm.s32 $0x1  }
0x2: {  	[smem:$0x3F9A] =	sst lr;
	_ =	strace $0xD0000000  }
0x3: {  	_ = 	snop  }
0x4: {  	_ = 	snop  }
0x5: {  	_ = 	snop  }
0x6: {  	_ = 	snop  }
0x7: {  	_ = 	snop  }
__scs_overlays_trampoline_lowered:
0x8: {  	[smem:$0x3FA9] =	sst s0  }
0x9: {  	[smem:$0x3FAA] =	sst s1  }
0xa: {  	[smem:$0x3FAB] =	sst s2  }
0xb: {  	[smem:$0x3FAC] =	sst s3  }
0xc: {  	[smem:$0x3FAD] =	sst s4  }
0xd: {  	[smem:$0x3FAE] =	sst s5  }
0xe: {  	[smem:$0x3FAF] =	sst s6  }
0xf: {  	[smem:$0x3FB0] =	sst s7  }
0x10: {  	[smem:$0x3FB1] =	sst s8  }
0x11: {  	[smem:$0x3FB2] =	sst s9;
	s0 =	simm.s32 @!p0 $0x0  }
0x12: {  	s1 =	sld [smem:$0x3F98];
	s0 =	simm.s32 @p0 $0x1  }
0x13: {  	[smem:$0x3FB3] =	sst s0;
	s0 =	simm.s32 @!p1 $0x0  }
0x14: {  	s2 =	sld [smem:$0x3F97];
	s0 =	simm.s32 @p1 $0x1  }
0x15: {  	[smem:$0x3FB4] =	sst s0;
	s0 =	simm.s32 @!p2 $0x0  }
0x16: {  	s3 =	sld [smem:$0x3FDB];
	s0 =	simm.s32 @p2 $0x1  }
0x17: {  	s4 =	simm.s32 $0x1BF5;
	[smem:$0x3FB6] =	sst s0  }
0x18: {  	s0 =	sld [smem:$0x3F99];
	_ =	swait.ge [sflag:s4], $0x0  }
0x19: {  	s7 =	sld [smem:$0x3F9A]  }
0x1a: {  	s8 =	sadd.s32 $0xFFFFE003, lr  }
0x1b: {  	s9 =	sadd.s32 $0xFFFFFEF7, lr;
	s5 =	simm.s32 $0xFFFFFFFF;
	p2 =	slt.u32 s8, $0xFFFFF086  }
0x1c: {  	p1 =	slt.u32 s9, $0xF7A;
	s5 =	simm.s32 @!p2 $0x0  }
0x1d: {  	s5 =	simm.s32 @p1 $0x1;
	p0 =	seq.s32 s7, s2  }
0x1e: {  	s7 =	smul.u32 @!p0 $0xF7A, s2;
	p2 =	seq.s32 @!p0 s5, $0x0  }
0x1f: {  	s9 =	smul.u32 $0xF7A, s1;
	s8 =	simm.s32 @!p0 $0x1BF5;
	p2 =	por !p2, p0  }
0x20: {  	[sflag:s8] =	ssyncset.s32 @!p0 $0xFFFFF086;
	s6 =	sadd.s32 @!p0 s3, s7;
	s7 =	simm.s32 @!p0 $0x108  }
0x21: {  	s3 =	sadd.s32 s3, s9;
	s6 =	sadd.s32 @!p0 $0x88, s6;
	s7 =	simm.s32 @p2 $0x1082  }
0x22: {  	[simem:s7], [sflag:s8] =	dma.local @!p0 [hbm:s6], $0xF7A  }
0x23: {  	s9 =	sor.u32 $0xD0000000, s2;
	s6 =	simm.s32 $0x108;
	_ =	swait.ge @!p0 [sflag:s8], $0x0  }
0x24: {  	s3 =	sadd.s32 $0x88, s3;
	s6 =	simm.s32 @!p1 $0x1082;
	[sflag:s4] =	ssyncset.s32 $0xFFFFF086  }
0x25: {  	[simem:s6], [sflag:s4] =	dma.local [hbm:s3], $0xF7A  }
0x26: {  	[smem:$0x3F9A] =	sst s1;
	(tag) =	ssettag s2;
	_ =	strace s9  }
0x27: {  	s1 =	sld [smem:$0x3FAA]  }
0x28: {  	s2 =	sld [smem:$0x3FAB]  }
0x29: {  	s4 =	sld [smem:$0x3FAD]  }
0x2a: {  	p0 =	seq.s32 s5, $0x0;
	s5 =	sld [smem:$0x3FAE]  }
0x2b: {  	s6 =	sld [smem:$0x3FAF]  }
0x2c: {  	s7 =	sld [smem:$0x3FB0]  }
0x2d: {  	s3 =	simm.s32 $0x108;
	s8 =	sld [smem:$0x3FB1]  }
0x2e: {  	s3 =	simm.s32 @!p0 $0x1082;
	s9 =	sld [smem:$0x3FB2]  }
0x2f: {  	lr =	sadd.s32 s0, s3;
	s0 =	sld [smem:$0x3FA9]  }
0x30: {  	s3 =	sld [smem:$0x3FAC]  }
0x31: {  	[smem:$0x3FB5] =	sst s10  }
0x32: {  	s10 =	sld [smem:$0x3FB3];
	_ =	sdelay $0x3  }
0x33: {  	p0 =	seq.s32 s10, $0x1;
	s10 =	sld [smem:$0x3FB5];
	_ =	sdelay $0x3  }
0x34: {  	[smem:$0x3FB5] =	sst s10  }
0x35: {  	s10 =	sld [smem:$0x3FB4];
	_ =	sdelay $0x3  }
0x36: {  	p1 =	seq.s32 s10, $0x1;
	s10 =	sld [smem:$0x3FB5];
	_ =	sdelay $0x3  }
0x37: {  	[smem:$0x3FB5] =	sst s10  }
0x38: {  	s10 =	sld [smem:$0x3FB6]  }
0x39: {  	_ = 	snop;
	(pc) =	sbr.ind lr, $3  }
0x3a: {  	_ = 	snop  }
0x3b: {  	_ = 	snop  }
0x3c: {  	p2 =	seq.s32 s10, $0x1;
	s10 =	sld [smem:$0x3FB5]  }
0x3d: {  	_ =	shalt  }
0x3e: {  	_ =	shalt  }
0x3f: {  	_ =	shalt  }
0x40: {  	_ =	shalt  }
0x41: {  	_ =	shalt  }
0x42: {  	_ =	shalt  }
0x43: {  	_ =	shalt  }
0x44: {  	_ =	shalt  }
0x45: {  	_ =	shalt  }
0x46: {  	_ =	shalt  }
0x47: {  	_ =	shalt  }
0x48: {  	_ =	shalt  }
0x49: {  	_ =	shalt  }
0x4a: {  	_ =	shalt  }
0x4b: {  	_ =	shalt  }
0x4c: {  	_ =	shalt  }
0x4d: {  	_ =	shalt  }
0x4e: {  	_ =	shalt  }
0x4f: {  	_ =	shalt  }
0x50: {  	_ =	shalt  }
0x51: {  	_ =	shalt  }
0x52: {  	_ =	shalt  }
0x53: {  	_ =	shalt  }
0x54: {  	_ =	shalt  }
0x55: {  	_ =	shalt  }
0x56: {  	_ =	shalt  }
0x57: {  	_ =	shalt  }
0x58: {  	_ =	shalt  }
0x59: {  	_ =	shalt  }
0x5a: {  	_ =	shalt  }
0x5b: {  	_ =	shalt  }
0x5c: {  	_ =	shalt  }
0x5d: {  	_ =	shalt  }
0x5e: {  	_ =	shalt  }
0x5f: {  	_ =	shalt  }
0x60: {  	_ =	shalt  }
0x61: {  	_ =	shalt  }
0x62: {  	_ =	shalt  }
0x63: {  	_ =	shalt  }
0x64: {  	_ =	shalt  }
0x65: {  	_ =	shalt  }
0x66: {  	_ =	shalt  }
0x67: {  	_ =	shalt  }
0x68: {  	_ =	shalt  }
0x69: {  	_ =	shalt  }
0x6a: {  	_ =	shalt  }
0x6b: {  	_ =	shalt  }
0x6c: {  	_ =	shalt  }
0x6d: {  	_ =	shalt  }
0x6e: {  	_ =	shalt  }
0x6f: {  	_ =	shalt  }
0x70: {  	_ =	shalt  }
0x71: {  	_ =	shalt  }
0x72: {  	_ =	shalt  }
0x73: {  	_ =	shalt  }
0x74: {  	_ =	shalt  }
0x75: {  	_ =	shalt  }
0x76: {  	_ =	shalt  }
0x77: {  	_ =	shalt  }
0x78: {  	_ =	shalt  }
0x79: {  	_ =	shalt  }
0x7a: {  	_ =	shalt  }
0x7b: {  	_ =	shalt  }
0x7c: {  	_ =	shalt  }
0x7d: {  	_ =	shalt  }
0x7e: {  	_ =	shalt  }
0x7f: {  	_ =	shalt  }
0x80: {  	_ =	shalt  }
0x81: {  	_ =	shalt  }
0x82: {  	_ =	shalt  }
0x83: {  	_ =	shalt  }
0x84: {  	_ =	shalt  }
0x85: {  	_ =	shalt  }
0x86: {  	_ =	shalt  }
0x87: {  	_ =	shalt  }
.Lfunc_end0:
.L_simem_size_0:
called_computation_lowered:
.L_overlay_start_0:
0x88: {  	s2 =	sld [smem:$0x3FD9]  }
0x89: {  	s3 =	sld [smem:$0x3FFE];
	_ =	sdelay $0x1  }
0x8a: {  	s1 =	srdreg.scid  }
0x8b: {  	s0 =	sand.u32 $0x1, s1  }
0x8c: {  	s17 =	sshll.u32 s0, $0xA;
	s2 =	sadd.s32 s3, s2  }
0x8d: {  	s2 =	sadd.s32 s2, s17  }
0x8e: {  	[smem:$0x3FC1] =	sst s2  }
0x8f: {  	_ = 	snop  }
0x90: {  	s2 =	sld [smem:$0x3FD0];
	(tm) =	ssettm $0x1  }
0x91: {  	s18 =	sld [smem:$0x3FFB];
	_ =	sdelay $0x3  }
0x92: {  	_ =	strace s18  }
0x93: {  	s3 =	sld [smem:$0x3FFC];
	_ =	sdelay $0x3  }
0x94: {  	_ =	strace s3  }
0x95: {  	s3 =	sld [smem:$0x3FFD];
	_ =	sdelay $0x3  }
0x96: {  	_ =	strace s3  }
0x97: {  	_ =	strace $0x8FFFFFFF  }
0x98: {  	s19 =	sld [smem:$0x3FDB];
	_ =	sdelay $0x1  }
0x99: {  	s4 =	simm.s32 $_scs_section_size  }
0x9a: {  	s5 =	simm.s32 $_size__tile_overlayer_lowered;
	s6 =	simm.s32 $_tile_overlayer_lowered  }
0x9b: {  	s22 =	simm.s32 $0x1BFF;
	s21 =	sshll.u32 s6, $0x1;
	s3 =	sadd.s32 s4, s19  }
0x9c: {  	s7 =	simm.s32 $0x0;
	s20 =	sshll.u32 s5, $0x1;
	s5 =	sadd.s32 s21, s3  }
0x9d: {  	[timem:s7], [sflag:s22] =	dma.local [hbm:s5], s20  }
0x9e: {  	_ =	swait.ge [sflag:s22], s20  }
0x9f: {  	s4 =	ssub.s32 $0x0, s20;
	[sflag:s22] =	ssyncset.done $0x0  }
0xa0: {  	[sflag:s22] =	ssyncadd.s32 s4;
	_ =	sdelay $0x1  }
0xa1: {  	s23 =	simm.s32 $0x1B8B  }
0xa2: {  	_ =	swait.ge [sflag:s23], $0x1  }
0xa3: {  	[sflag:s23] =	ssyncset.done $0x0  }
0xa4: {  	s25 =	simm.s32 $0x1B8E;
	s24 =	sld [smem:$0x3FFE];
	[sflag:s23] =	ssyncadd.s32 $0xFFFFFFFF  }
0xa5: {  	s26 =	simm.s32 $execute0_lowered;
	[smem:$0x3FD2] =	sst s25  }
0xa6: {  	s5 =	sshll.u32 s26, $0x1;
	_ =	strace $0x80000046;
	[dreg:$0x1] =	wrdreg $0xFFFFFFFF  }
0xa7: {  	s28 =	simm.s32 $_size_execute0_lowered;
	s3 =	sadd.s32 s3, s5;
	[dreg:$0x0] =	wrdreg $0x0  }
0xa8: {  	s5 =	sshll.u32 s28, $0x1;
	[dreg:$0x2] =	wrdreg s3  }
0xa9: {  	[dreg:$0x3] =	wrdreg s5  }
0xaa: {  	[dreg:$0x4] =	wrdreg $0xC0  }
0xab: {  	_ =	task [dreg:s7], $0x5FFFF  }
0xac: {  	[dreg:$0x1] =	wrdreg $0xFFFFFFFF  }
0xad: {  	[dreg:$0x0] =	wrdreg $0x60  }
0xae: {  	[dreg:$0x2] =	wrdreg s24  }
0xaf: {  	[dreg:$0x3] =	wrdreg s2  }
0xb0: {  	[dreg:$0x4] =	wrdreg $0x9  }
0xb1: {  	_ =	task.clear_ibuf [dreg:s7], $0x5FFFF;
	_ =	strace $0x90000046  }
0xb2: {  	s29 =	simm.s32 $0x9;
	_ =	strace $0x80000048  }
0xb3: {  	_ =	swait.ge [sflag:s29], $0x1  }
0xb4: {  	[sflag:s29] =	ssyncadd.s32 $0xFFFFFFFF  }
0xb5: {  	_ =	strace $0x90000048  }
0xb6: {  	_ =	sfence  }
0xb7: {  	s30 =	sld [smem:$0x0];
	_ =	sdelay $0x2  }
0xb8: {  	s31 =	sshll.u32 s1, $0xD;
	s1 =	sshrl.u32 s1, $0x2  }
0xb9: {  	s3 =	sand.u32 $0x4000, s31;
	s1 =	sadd.s32 s1, s30  }
0xba: {  	s0 =	sor.u32 s3, s0;
	s1 =	sshll.u32 s1, $0x11  }
0xbb: {  	s0 =	sor.u32 s1, s0  }
0xbc: {  	s0 =	sadd.s32 $0x8F2B, s0  }
0xbd: {  	[sflag:s0] =	ssyncadd.remote.s32 $0x1  }
0xbe: {  	_ =	sfence.sel $0xFFFF  }
0xbf: {  	[dreg:$0x0] =	wrdreg $0xFFFFFFFF;
	(pc) =	sbr.abs _section_cstart, $3  }
0xc0: {  	[dreg:$0x1] =	wrdreg $0xFFFFFFFF  }
0xc1: {  	_ =	task.clear_ibuf [dreg:s7], $0x2FFFF;
	_ =	strace $0x9FFFFFFF  }
0xc2: {  	(tm) =	ssettm $0x7FFFFFFF  }
0xc3: {  	_ =	shalt  }
tec
execute0_lowered:
.L_overlay_start_1:
0x0: {  	(tag) =	ssettag $0x1  }
0x1: {  	s1 =	srdreg.scid;
	s3 =	rddreg [dreg:$0x0]  }
0x2: {  	s0 =	stileid.u32;
	s5 =	rddreg [dreg:$0x1];
	s2 =	simm.s32 $0x0  }
0x3: {  	s9 =	simm.s32 $0xD000;
	s10 =	simm.s32 $0x68;
	s11 =	simm.s32 $0xE900  }
0x4: {  	s12 =	simm.s32 $0x10200;
	s13 =	simm.s32 $0x11B00;
	s14 =	simm.s32 $0x1  }
0x5: {  	s15 =	simm.s32 $0x2;
	s16 =	simm.s32 $0x13400;
	s17 =	simm.s32 $0x0  }
0x6: {  	s4 =	sand.u32 $0x1, s1;
	s31 =	sshll.u32 s0, $0x1;
	s1 =	rddreg [dreg:$0x2]  }
0x7: {  	[smem:$0x7FF] =	sst s2;
	s6 =	sor.u32 s4, s31;
	s4 =	ssub.s32 $0x2, s4  }
0x8: {  	s7 =	smul.u32 $0x1A00, s6;
	s8 =	sshrl.u32 s4, $0x1;
	s6 =	sshll.u32 s6, $0xB  }
0x9: {  	_ =	strace $0x80000047;
	s8 =	ssub.s32 s4, s8;
	s5 =	sadd.s32 s5, s6  }
0xa: {  	s7 =	sadd.s32 s7, s3;
	s3 =	sadd.s32 $0xF43400, s3;
	s6 =	smax.u32 s8, $0x1  }
0xb: {  	s8 =	simm.s32 $0x64;
	s4 =	sadd.s32 $0x1000, s7;
	s7 =	simm.s32 $0x3  }
.LBB2_1:
0xc: {  	[tilespmem:s2], [sflag:$0x3] =	stream.linear.gather [hbm4b:s4+s2], $0xD000, $0x38;
	[tilespmem:$0x17400] =	vst v63  }
0xd: {  	_ =	swait.ge [sflag:s7], $0xD000  }
0xe: {  	[sflag:s7] =	ssyncset.done $0x0  }
0xf: {  	[sflag:s7] =	ssyncadd.s32 $0xFFFF3000  }
0x10: {  	[tilespmem:s9], [sflag:$0x1] =	stream.indirect.gather [hbm4b:s3+s8], $0x40, s2, s8, $0xb8;
	[tilespmem:$0x17400] =	vst v63  }
0x11: {  	s18 =	simm.s32 $0x0  }
0x12: {  	[tilespmem:s11], [sflag:$0x1] =	stream.indirect.gather [hbm4b:s3+s8], $0x40, s10, s8, $0xb8;
	[tilespmem:$0x17400] =	vst v63  }
.LBB2_2:
0x13: {  	s19 =	sshllo.u32 s18, $0x1  }
0x14: {  	s20 =	smul.u32 $0x340, s19;
	_ =	sdelay $0x1  }
0x15: {  	s20 =	sshra.s32 s20, $0x2  }
0x16: {  	[tilespmem:s12], [sflag:$0x2] =	stream.indirect.gather [hbm4b:s3+s8], $0x40, s20, s8, $0xb8;
	[tilespmem:$0x17400] =	vst v63  }
0x17: {  	s20 =	sadd.s32 $0x68, s20  }
0x18: {  	[tilespmem:s13], [sflag:$0x2] =	stream.indirect.gather [hbm4b:s3+s8], $0x40, s20, s8, $0xb8;
	[tilespmem:$0x17400] =	vst v63  }
0x19: {  	_ =	swait.ge [sflag:s14], $0x1900  }
0x1a: {  	[sflag:s14] =	ssyncset.done $0x0  }
0x1b: {  	[sflag:s14] =	ssyncadd.s32 $0xFFFFE700  }
0x1c: {  	_ =	swait.ge [sflag:s14], $0x1900  }
0x1d: {  	[sflag:s14] =	ssyncset.done $0x0  }
0x1e: {  	s21 =	simm.s32 $0x0;
	[sflag:s14] =	ssyncadd.s32 $0xFFFFE700  }
0x1f: {  	v1 =	vld [tilespmem:s21+$0xD030]  }
0x20: {  	v3 =	vld [tilespmem:s21+$0xD000]  }
0x21: {  	v0 =	vimm.f32 $0.0e+00;
	v4 =	vld [tilespmem:s21+$0xD010]  }
0x22: {  	v7 =	vimm.f32 $0.0e+00;
	v6 =	vimm.f32 $0.0e+00;
	v5 =	vimm.f32 $0.0e+00;
	s20 =	simm.s32 $0x100;
	v2 =	vld [tilespmem:s21+$0xD020]  }
.LBB2_3:
0x23: {  	p0 =	sne.s32 s20, $0xC700  }
.Ltmp0:
0x24: {  	s21 =	sshra.s32 s20, $0x2;
	s20 =	sadd.s32 $0x100, s20;
	v0 =	vadd.f32 v1, v0;
	(pc) =	sbr.rel @p0 .LBB2_3-.Ltmp0, $4  }
0x25: {  	v1 =	vld [tilespmem:s21+$0xD030];
	v7 =	vadd.f32 v3, v7  }
0x26: {  	v3 =	vld [tilespmem:s21+$0xD000];
	v6 =	vadd.f32 v4, v6  }
0x27: {  	v4 =	vld [tilespmem:s21+$0xD010];
	v5 =	vadd.f32 v2, v5  }
0x28: {  	v2 =	vld [tilespmem:s21+$0xD020]  }
0x29: {  	_ = 	snop  }
0x2a: {  	s20 =	sshll.u32 s18, $0x7;
	v0 =	vadd.f32 v1, v0  }
0x2b: {  	p0 =	seq.s32 s18, $0x7F;
	s20 =	sand.u32 $0x3FFFFF80, s20;
	v3 =	vadd.f32 v3, v7  }
0x2c: {  	s21 =	smul.u32 @!p0 $0x680, s18;
	v4 =	vadd.f32 v4, v6;
	[tilespmem:s20+$0x13430] =	vst v0  }
0x2d: {  	v2 =	vadd.f32 v2, v5;
	[tilespmem:s20+$0x13400] =	vst v3  }
0x2e: {  	s21 =	sshra.s32 @!p0 s21, $0x2;
	[tilespmem:s20+$0x13410] =	vst v4  }
0x2f: {  	s22 =	simm.s32 @!p0 $0x64;
	s23 =	simm.s32 @!p0 $0xD000;
	[tilespmem:s20+$0x13420] =	vst v2;
	s20 =	sadd.s32 @!p0 $0x1A0, s21  }
0x30: {  	[tilespmem:s23], [sflag:$0x1] =	stream.indirect.gather @!p0 [hbm4b:s3+s22], $0x40, s20, s22, $0xb8;
	[tilespmem:$0x17400] =	vst v63  }
0x31: {  	s20 =	sadd.s32 @!p0 $0x208, s21;
	s21 =	simm.s32 @!p0 $0xE900  }
0x32: {  	[tilespmem:s21], [sflag:$0x1] =	stream.indirect.gather @!p0 [hbm4b:s3+s22], $0x40, s20, s22, $0xb8;
	[tilespmem:$0x17400] =	vst v63  }
0x33: {  	_ =	swait.ge [sflag:s15], $0x1900  }
0x34: {  	[sflag:s15] =	ssyncset.done $0x0  }
0x35: {  	[sflag:s15] =	ssyncadd.s32 $0xFFFFE700  }
0x36: {  	_ =	swait.ge [sflag:s15], $0x1900  }
0x37: {  	[sflag:s15] =	ssyncset.done $0x0  }
0x38: {  	s31 =	simm.s32 $0x0;
	[sflag:s15] =	ssyncadd.s32 $0xFFFFE700  }
0x39: {  	v1 =	vld [tilespmem:s31+$0x10230]  }
0x3a: {  	v2 =	vld [tilespmem:s31+$0x10200]  }
0x3b: {  	v7 =	vimm.f32 $0.0e+00;
	v3 =	vld [tilespmem:s31+$0x10210]  }
0x3c: {  	v0 =	vimm.f32 $0.0e+00;
	v6 =	vimm.f32 $0.0e+00;
	v5 =	vimm.f32 $0.0e+00;
	s20 =	simm.s32 $0x100;
	v4 =	vld [tilespmem:s31+$0x10220]  }
.LBB2_5:
0x3d: {  	p0 =	sne.s32 s20, $0xC700  }
.Ltmp1:
0x3e: {  	s21 =	sshra.s32 s20, $0x2;
	s20 =	sadd.s32 $0x100, s20;
	v0 =	vadd.f32 v1, v0;
	(pc) =	sbr.rel @p0 .LBB2_5-.Ltmp1, $4  }
0x3f: {  	v1 =	vld [tilespmem:s21+$0x10230];
	v7 =	vadd.f32 v2, v7  }
0x40: {  	v2 =	vld [tilespmem:s21+$0x10200];
	v6 =	vadd.f32 v3, v6  }
0x41: {  	v3 =	vld [tilespmem:s21+$0x10210];
	v5 =	vadd.f32 v4, v5  }
0x42: {  	v4 =	vld [tilespmem:s21+$0x10220]  }
0x43: {  	s18 =	sadd.s32 $0x1, s18  }
0x44: {  	s19 =	sshll.u32 s19, $0x6;
	v0 =	vadd.f32 v1, v0;
	p0 =	sne.s32 s18, $0x80  }
.Ltmp2:
0x45: {  	s19 =	sand.u32 $0x3FFFFFC0, s19;
	v2 =	vadd.f32 v2, v7;
	(pc) =	sbr.rel @p0 .LBB2_2-.Ltmp2, $4  }
0x46: {  	v3 =	vadd.f32 v3, v6;
	[tilespmem:s19+$0x13430] =	vst v0  }
0x47: {  	v4 =	vadd.f32 v4, v5;
	[tilespmem:s19+$0x13400] =	vst v2  }
0x48: {  	[tilespmem:s19+$0x13410] =	vst v3  }
0x49: {  	[tilespmem:s19+$0x13420] =	vst v4  }
0x4a: {  	s17 =	sadd.s32 $0x1, s17  }
0x4b: {  	p0 =	sne.s32 s17, s6  }
.Ltmp3:
0x4c: {  	_ = 	snop;
	(pc) =	sbr.rel @p0 .LBB2_1-.Ltmp3, $4  }
0x4d: {  	[hbm4b:s5+s2] =	stream.linear.scatter [tilespmem:s16], [sflag:$0x3], $0x4000, $0x38;
	[tilespmem:$0x17400] =	vst v63  }
0x4e: {  	_ =	swait.ge [sflag:s7], $0x4000  }
0x4f: {  	[sflag:s7] =	ssyncset.done $0x0  }
0x50: {  	[sflag:s7] =	ssyncadd.s32 $0xFFFFC000  }
0x51: {  	_ =	sfence.sel $0x180000  }
0x52: {  	[bflag:$0x0] =	sbarrier.arrive $0xFFFF  }
0x53: {  	p0 =	sne.s32 s0, $0x0;
	_ =	strace $0x90000047  }
0x54: {  	s0 =	sadd.s32 @!p0 $0x100000, s1;
	[bflag:$0x2] =	sbarrier.arrive $0xFFFF  }
0x55: {  	[sflag:s0] =	ssyncadd.tile.s32 @!p0 $0x1;
	_ =	shalt  }
.Lfunc_end2:
_tile_overlayer_lowered:
.L_overlay_start_2:
0x56: {  	(tag) =	ssettag $0x2  }
0x57: {  	s0 =	rddreg [dreg:$0x0];
	s2 =	stileid.u32  }
0x58: {  	s1 =	rddreg [dreg:$0x1];
	p0 =	sne.s32 s2, $0x0  }
0x59: {  	s3 =	rddreg [dreg:$0x2];
	[bflag:$0x3] =	sbarrier.arrive $0xFFFF;
	s2 =	simm.s32 @!p0 $0x1C03  }
0x5a: {  	[timem:s3], [sflag:s2] =	dma.local @!p0 [hbm:s0], s1  }
0x5b: {  	s0 =	simm.s32 @!p0 $0x3  }
0x5c: {  	_ =	swait.ge @!p0 [sflag:s0], s1  }
0x5d: {  	s1 =	ssub.s32 @!p0 $0x0, s1;
	[sflag:s0] =	ssyncset.done @!p0 $0x0  }
0x5e: {  	[sflag:s0] =	ssyncadd.s32 @!p0 s1  }
0x5f: {  	[bflag:$0x3] =	sbarrier.arrive $0xFFFF  }
0x60: {  	_ =	shalt  }

</sc_bundles>
